<compile_context>
chip_gen: v7x
topology: tpu7x:2x2x1
jax: 0.10.2.dev20260603
libtpu: 0.0.44.dev20260713+nightly
codegen_flags: <defaults>
</compile_context>

<pallas_src>
import functools

import jax
import jax.numpy as jnp
from jax import lax
from jax.experimental import pallas as pl
from jax.experimental.pallas import tpu as pltpu
from jax.experimental.pallas import tpu_sc as plsc

N = 10000
E = 320000
D = 128

NC = 2
NS = 16
NW = NC * NS
LANES = 16

K = 128
CH = 79
EW = CH * K
EPAD = NW * EW
NPAD = 10240
ROWS_PER_SUB = NPAD // NS


def _prep_body(x_ref, w_ref, bw_ref, aw_ref, wh_ref, s1_ref, s2_ref):
    x = x_ref[...]
    wh = lax.dot_general(x, w_ref[...], (((1,), (1,)), ((), ())),
                         preferred_element_type=jnp.float32)
    wh = wh + bw_ref[...]
    wh_ref[...] = wh
    a1 = aw_ref[:, :D]
    a2 = aw_ref[:, D:]
    s1_ref[...] = lax.dot_general(wh, a1, (((1,), (1,)), ((), ())),
                                  preferred_element_type=jnp.float32)
    s2_ref[...] = lax.dot_general(wh, a2, (((1,), (1,)), ((), ())),
                                  preferred_element_type=jnp.float32)


def _tc_prep(x, W, b_W, A_w):
    return pl.pallas_call(
        _prep_body,
        out_shape=[
            jax.ShapeDtypeStruct((N, D), jnp.float32),
            jax.ShapeDtypeStruct((N, 1), jnp.float32),
            jax.ShapeDtypeStruct((N, 1), jnp.float32),
        ],
    )(x, W, b_W.reshape(1, D), A_w)


def _sc_body(whp, s1p, s2p, srcp, dstp, zh, zd,
             hparts, dparts,
             s1v, s2v, srcc, dstc, wc, rows, hsh, dsh, sem):
    c = lax.axis_index("c")
    s = lax.axis_index("s")
    wid = s * NC + c

    sub_sl = pl.ds(s * ROWS_PER_SUB, ROWS_PER_SUB)
    pltpu.sync_copy(zh.at[sub_sl], hsh.at[sub_sl])

    @pl.when(s == 0)
    def _():
        pltpu.sync_copy(zd, dsh)

    pltpu.sync_copy(s1p, s1v)
    pltpu.sync_copy(s2p, s2v)
    plsc.subcore_barrier()

    def chunk(j, carry):
        pltpu.sync_copy(srcp.at[wid, j], srcc)
        pltpu.sync_copy(dstp.at[wid, j], dstc)
        gat = pltpu.async_copy(whp.at[srcc], rows, sem)
        for v in range(K // LANES):
            sl = pl.ds(v * LANES, LANES)
            e = (plsc.load_gather(s1v, [dstc[sl]])
                 + plsc.load_gather(s2v, [srcc[sl]]))
            e = jnp.maximum(e, 0.2 * e)
            wc[sl] = jnp.exp(e)
        pltpu.sync_copy(wc, dsh.at[dstc], add=True)
        gat.wait()

        def rowscale(i, rcarry):
            a = plsc.load_gather(wc, [jnp.full((LANES,), i, jnp.int32)])
            for cc in range(D // LANES):
                sl = pl.ds(cc * LANES, LANES)
                rows[i, sl] = rows[i, sl] * a
            return rcarry

        lax.fori_loop(0, K, rowscale, 0)
        pltpu.sync_copy(rows, hsh.at[dstc], add=True)
        return carry

    lax.fori_loop(0, CH, chunk, 0)

    plsc.subcore_barrier()
    pltpu.sync_copy(hsh.at[sub_sl], hparts.at[c, sub_sl])

    @pl.when(s == 0)
    def _():
        pltpu.sync_copy(dsh, dparts.at[c])


@functools.partial(jax.jit, static_argnums=())
def _sc_edges(whp, s1p, s2p, srcp, dstp, zh, zd):
    mesh = plsc.VectorSubcoreMesh(core_axis_name="c", subcore_axis_name="s",
                                  num_cores=NC, num_subcores=NS)
    return pl.kernel(
        _sc_body,
        out_type=[
            jax.ShapeDtypeStruct((NC, NPAD, D), jnp.float32),
            jax.ShapeDtypeStruct((NC, NPAD), jnp.float32),
        ],
        mesh=mesh,
        compiler_params=pltpu.CompilerParams(needs_layout_passes=False),
        scratch_types=[
            pltpu.VMEM((NPAD,), jnp.float32),
            pltpu.VMEM((NPAD,), jnp.float32),
            pltpu.VMEM((K,), jnp.int32),
            pltpu.VMEM((K,), jnp.int32),
            pltpu.VMEM((K,), jnp.float32),
            pltpu.VMEM((K, D), jnp.float32),
            pltpu.VMEM_SHARED((NPAD, D), jnp.float32),
            pltpu.VMEM_SHARED((NPAD,), jnp.float32),
            pltpu.SemaphoreType.DMA,
        ],
    )(whp, s1p, s2p, srcp, dstp, zh, zd)


def _fin_body(h0_ref, h1_ref, d_ref, o_ref):
    hsum = h0_ref[...] + h1_ref[...]
    d = d_ref[...]
    o_ref[...] = jnp.where(d > 0.0, hsum / d, 0.0)


def _tc_finalize(h0, h1, dsum):
    return pl.pallas_call(
        _fin_body,
        out_shape=jax.ShapeDtypeStruct((NPAD, D), jnp.float32),
    )(h0, h1, dsum)


def kernel(x, edge_index, W, b_W, A_w, b_A):
    Wh, s1, s2 = _tc_prep(x, W, b_W, A_w)

    whp = jnp.pad(Wh, ((0, NPAD - N), (0, 0)))
    s1p = jnp.pad(s1[:, 0] + b_A[0], (0, NPAD - N), constant_values=-1e30)
    s2p = jnp.pad(s2[:, 0], (0, NPAD - N))

    src = edge_index[0].astype(jnp.int32)
    dst = edge_index[1].astype(jnp.int32)
    srcp = jnp.pad(src, (0, EPAD - E), constant_values=N).reshape(NW, CH, K)
    dstp = jnp.pad(dst, (0, EPAD - E), constant_values=N).reshape(NW, CH, K)

    zh = jnp.zeros((NPAD, D), jnp.float32)
    zd = jnp.zeros((NPAD,), jnp.float32)

    hparts, dparts = _sc_edges(whp, s1p, s2p, srcp, dstp, zh, zd)

    dsum = (dparts[0] + dparts[1])[:, None]
    h = _tc_finalize(hparts[0], hparts[1], dsum)
    return h[:N]

# --- scband reference (transcript-rebuilt; emitter-appended) ---
"""Pipeline reference for scband-gatlayer-65163243815808 (READ-ONLY COPY).

The authoritative reference and input builder live on the scoring server;
editing this copy changes nothing except your own understanding.
"""

import jax, jax.numpy as jnp
import numpy as np

N_NODES = 10000
N_EDGES = 320000
D = 128


def setup_inputs(seed: int = 0) -> dict:
    key = jax.random.key(seed)
    ks = jax.random.split(key, 6)
    x = jax.random.normal(ks[0], (N_NODES, D), dtype=jnp.float32)
    edge_index = jax.random.randint(ks[1], (2, N_EDGES), 0, N_NODES)
    # Learned params sized per init_kwargs (input_dim=128, output_dim=128)
    gain = 1.4142135
    W = jax.random.normal(ks[2], (D, D), dtype=jnp.float32) * (gain / np.sqrt(D))
    b_W = jnp.zeros((D,), dtype=jnp.float32)
    A_w = jax.random.normal(ks[3], (1, 2 * D), dtype=jnp.float32) * (gain / np.sqrt(2 * D))
    b_A = jnp.zeros((1,), dtype=jnp.float32)
    return {"x": x, "edge_index": edge_index, "W": W, "b_W": b_W, "A_w": A_w, "b_A": b_A}


def reference(x, edge_index, W, b_W, A_w, b_A):
    # GAT layer (eval mode: dropout is identity).
    N = x.shape[0]
    src = edge_index[0]
    dst = edge_index[1]
    # Wh = Linear(x)
    Wh = x @ W.T + b_W                      # [N, D]
    # message: e_ij = LeakyReLU(A([Wh_i ; Wh_j]))
    Wh_j = jnp.take(Wh, src, axis=0)        # [E, D]  (source / neighbor)
    Wh_i = jnp.take(Wh, dst, axis=0)        # [E, D]  (destination)
    e = jnp.concatenate([Wh_i, Wh_j], axis=1) @ A_w.T + b_A  # [E, 1]
    e = jax.nn.leaky_relu(e, negative_slope=0.2)[:, 0]        # [E]
    # reduce: softmax over incoming edges per destination node
    e_max = jax.ops.segment_max(e, dst, num_segments=N)       # [N]
    e_max = jnp.where(jnp.isfinite(e_max), e_max, 0.0)
    e_exp = jnp.exp(e - jnp.take(e_max, dst))                  # [E]
    denom = jax.ops.segment_sum(e_exp, dst, num_segments=N)    # [N]
    alpha = e_exp / jnp.take(denom, dst)                       # [E]
    # h_i = sum_j alpha_ij * Wh_j  (scatter-add by dst)
    h = jax.ops.segment_sum(alpha[:, None] * Wh_j, dst, num_segments=N)  # [N, D]
    return h

if __name__ == "__main__":
    import jax
    _d = setup_inputs()
    print(jax.jit(kernel)(*tuple(_d.values())))

</pallas_src>

<mosaic_0001>
#map = affine_map<(d0, d1) -> (0, 0)>
#map1 = affine_map<(d0, d1) -> (0)>
#map2 = affine_map<(d0, d1) -> (0, 0, 0)>
module attributes {stable_mosaic.version = 14 : i64} {
  func.func @_sc_body(%arg0: i32, %arg1: i32, %arg2: memref<10240x128xf32, #tpu.memory_space<hbm>>, %arg3: memref<10240xf32, #tpu.memory_space<hbm>>, %arg4: memref<10240xf32, #tpu.memory_space<hbm>>, %arg5: memref<32x79x128xi32, #tpu.memory_space<hbm>>, %arg6: memref<32x79x128xi32, #tpu.memory_space<hbm>>, %arg7: memref<10240x128xf32, #tpu.memory_space<hbm>>, %arg8: memref<10240xf32, #tpu.memory_space<hbm>>, %arg9: memref<2x10240x128xf32, #tpu.memory_space<hbm>>, %arg10: memref<2x10240xf32, #tpu.memory_space<hbm>>, %arg11: memref<10240xf32, #tpu.memory_space<vmem>>, %arg12: memref<10240xf32, #tpu.memory_space<vmem>>, %arg13: memref<128xi32, #tpu.memory_space<vmem>>, %arg14: memref<128xi32, #tpu.memory_space<vmem>>, %arg15: memref<128xf32, #tpu.memory_space<vmem>>, %arg16: memref<128x128xf32, #tpu.memory_space<vmem>>, %arg17: memref<10240x128xf32, #tpu.memory_space<vmem_shared>>, %arg18: memref<10240xf32, #tpu.memory_space<vmem_shared>>, %arg19: memref<!tpu.dma_semaphore, #tpu.memory_space<semaphore_mem>>) attributes {dimension_semantics = [#tpu.dimension_semantics<core_parallel>, #tpu.dimension_semantics<subcore_parallel>], iteration_bounds = array<i64: 2, 16>, scalar_prefetch = 0 : i64, scratch_operands = 9 : i64, tpu.core_type = #tpu.core_type<sc_vector_subcore>, window_params = [{transform_indices = #map}, {transform_indices = #map1}, {transform_indices = #map1}, {transform_indices = #map2}, {transform_indices = #map2}, {transform_indices = #map}, {transform_indices = #map1}, {transform_indices = #map2}, {transform_indices = #map}]} {
    %mul3A = arith.constant 2 : i32
    %mul3A_0 = arith.muli %arg1, %mul3A : i32
    %add3A = arith.addi %mul3A_0, %arg0 : i32
    %mul3A_1 = arith.constant 640 : i32
    %mul3A_2 = arith.muli %arg1, %mul3A_1 : i32
    "tpu.region"() ({
      %run_scoped3A = tpu.sem_alloc : memref<!tpu.dma_semaphore, #tpu.memory_space<semaphore_mem>>
      %dma_start3A = arith.constant 0 : i32
      %dma_start3A_16 = tpu.memref_slice %arg17[%mul3A_2, %dma_start3A] : memref<10240x128xf32, #tpu.memory_space<vmem_shared>> -> memref<640x128xf32, #tpu.memory_space<vmem_shared>>
      %dma_start3A_17 = arith.constant 0 : i32
      %dma_start3A_18 = tpu.memref_slice %arg7[%mul3A_2, %dma_start3A_17] : memref<10240x128xf32, #tpu.memory_space<hbm>> -> memref<640x128xf32, #tpu.memory_space<hbm>>
      tpu.enqueue_dma source(%dma_start3A_18 : memref<640x128xf32, #tpu.memory_space<hbm>>) target(%dma_start3A_16 : memref<640x128xf32, #tpu.memory_space<vmem_shared>>) target_semaphore(%run_scoped3A : memref<!tpu.dma_semaphore, #tpu.memory_space<semaphore_mem>>)
      %dma_wait3A = arith.constant 0 : i32
      %dma_wait3A_19 = tpu.memref_slice %arg17[%mul3A_2, %dma_wait3A] : memref<10240x128xf32, #tpu.memory_space<vmem_shared>> -> memref<640x128xf32, #tpu.memory_space<vmem_shared>>
      %dma_wait3A_20 = arith.constant 0 : i32
      %dma_wait3A_21 = tpu.memref_slice %arg7[%mul3A_2, %dma_wait3A_20] : memref<10240x128xf32, #tpu.memory_space<hbm>> -> memref<640x128xf32, #tpu.memory_space<hbm>>
      tpu.wait_dma2 semaphore(%run_scoped3A : memref<!tpu.dma_semaphore, #tpu.memory_space<semaphore_mem>>) src(%dma_wait3A_21 : memref<640x128xf32, #tpu.memory_space<hbm>>) dst(%dma_wait3A_19 : memref<640x128xf32, #tpu.memory_space<vmem_shared>>)
      tpu.yield
    }) : () -> ()
    %eq3A = arith.constant 0 : i32
    %eq3A_3 = arith.cmpi eq, %arg1, %eq3A : i32
    %convert_element_type3A = arith.extui %eq3A_3 : i1 to i32
    %cond3A = arith.constant 0 : i32
    %cond3A_4 = arith.cmpi ne, %convert_element_type3A, %cond3A : i32
    scf.if %cond3A_4 {
      "tpu.region"() ({
        %run_scoped3A = tpu.sem_alloc : memref<!tpu.dma_semaphore, #tpu.memory_space<semaphore_mem>>
        tpu.enqueue_dma source(%arg8 : memref<10240xf32, #tpu.memory_space<hbm>>) target(%arg18 : memref<10240xf32, #tpu.memory_space<vmem_shared>>) target_semaphore(%run_scoped3A : memref<!tpu.dma_semaphore, #tpu.memory_space<semaphore_mem>>)
        tpu.wait_dma2 semaphore(%run_scoped3A : memref<!tpu.dma_semaphore, #tpu.memory_space<semaphore_mem>>) src(%arg8 : memref<10240xf32, #tpu.memory_space<hbm>>) dst(%arg18 : memref<10240xf32, #tpu.memory_space<vmem_shared>>)
        tpu.yield
      }) : () -> ()
    } else {
    }
    "tpu.region"() ({
      %run_scoped3A = tpu.sem_alloc : memref<!tpu.dma_semaphore, #tpu.memory_space<semaphore_mem>>
      tpu.enqueue_dma source(%arg3 : memref<10240xf32, #tpu.memory_space<hbm>>) target(%arg11 : memref<10240xf32, #tpu.memory_space<vmem>>) target_semaphore(%run_scoped3A : memref<!tpu.dma_semaphore, #tpu.memory_space<semaphore_mem>>)
      tpu.wait_dma2 semaphore(%run_scoped3A : memref<!tpu.dma_semaphore, #tpu.memory_space<semaphore_mem>>) src(%arg3 : memref<10240xf32, #tpu.memory_space<hbm>>) dst(%arg11 : memref<10240xf32, #tpu.memory_space<vmem>>)
      tpu.yield
    }) : () -> ()
    "tpu.region"() ({
      %run_scoped3A = tpu.sem_alloc : memref<!tpu.dma_semaphore, #tpu.memory_space<semaphore_mem>>
      tpu.enqueue_dma source(%arg4 : memref<10240xf32, #tpu.memory_space<hbm>>) target(%arg12 : memref<10240xf32, #tpu.memory_space<vmem>>) target_semaphore(%run_scoped3A : memref<!tpu.dma_semaphore, #tpu.memory_space<semaphore_mem>>)
      tpu.wait_dma2 semaphore(%run_scoped3A : memref<!tpu.dma_semaphore, #tpu.memory_space<semaphore_mem>>) src(%arg4 : memref<10240xf32, #tpu.memory_space<hbm>>) dst(%arg12 : memref<10240xf32, #tpu.memory_space<vmem>>)
      tpu.yield
    }) : () -> ()
    %barrier3A = arith.constant 0 : index
    tpu.barrier barrier_id(%barrier3A)
    %scan3A = arith.constant 0 : i32
    %scan3A_5 = arith.constant 0 : i32
    %scan3A_6 = arith.constant 79 : i32
    %scan3A_7 = arith.addi %scan3A_5, %scan3A_6 : i32
    %scan3A_8 = arith.constant 1 : i32
    scf.for %scan3A_16 = %scan3A_5 to %scan3A_7 step %scan3A_8  : i32 {
      "tpu.region"() ({
        %run_scoped3A = tpu.sem_alloc : memref<!tpu.dma_semaphore, #tpu.memory_space<semaphore_mem>>
        %dma_start3A_134 = arith.constant 0 : i32
        %dma_start3A_135 = tpu.memref_slice %arg5[%add3A, %scan3A_16, %dma_start3A_134] : memref<32x79x128xi32, #tpu.memory_space<hbm>> -> memref<1x1x128xi32, #tpu.memory_space<hbm>>
        %dma_start3A_136 = tpu.memref_squeeze %dma_start3A_135 : memref<1x1x128xi32, #tpu.memory_space<hbm>> -> memref<128xi32, #tpu.memory_space<hbm>>
        %dma_start3A_137 = arith.constant 0 : i32
        %dma_start3A_138 = tpu.memref_slice %arg5[%add3A, %scan3A_16, %dma_start3A_137] : memref<32x79x128xi32, #tpu.memory_space<hbm>> -> memref<1x1x128xi32, #tpu.memory_space<hbm>>
        %dma_start3A_139 = tpu.memref_squeeze %dma_start3A_138 : memref<1x1x128xi32, #tpu.memory_space<hbm>> -> memref<128xi32, #tpu.memory_space<hbm>>
        tpu.enqueue_dma source(%dma_start3A_139 : memref<128xi32, #tpu.memory_space<hbm>>) target(%arg13 : memref<128xi32, #tpu.memory_space<vmem>>) target_semaphore(%run_scoped3A : memref<!tpu.dma_semaphore, #tpu.memory_space<semaphore_mem>>)
        %dma_wait3A_140 = arith.constant 0 : i32
        %dma_wait3A_141 = tpu.memref_slice %arg5[%add3A, %scan3A_16, %dma_wait3A_140] : memref<32x79x128xi32, #tpu.memory_space<hbm>> -> memref<1x1x128xi32, #tpu.memory_space<hbm>>
        %dma_wait3A_142 = tpu.memref_squeeze %dma_wait3A_141 : memref<1x1x128xi32, #tpu.memory_space<hbm>> -> memref<128xi32, #tpu.memory_space<hbm>>
        %dma_wait3A_143 = arith.constant 0 : i32
        %dma_wait3A_144 = tpu.memref_slice %arg5[%add3A, %scan3A_16, %dma_wait3A_143] : memref<32x79x128xi32, #tpu.memory_space<hbm>> -> memref<1x1x128xi32, #tpu.memory_space<hbm>>
        %dma_wait3A_145 = tpu.memref_squeeze %dma_wait3A_144 : memref<1x1x128xi32, #tpu.memory_space<hbm>> -> memref<128xi32, #tpu.memory_space<hbm>>
        tpu.wait_dma2 semaphore(%run_scoped3A : memref<!tpu.dma_semaphore, #tpu.memory_space<semaphore_mem>>) src(%dma_wait3A_145 : memref<128xi32, #tpu.memory_space<hbm>>) dst(%arg13 : memref<128xi32, #tpu.memory_space<vmem>>)
        tpu.yield
      }) : () -> ()
      "tpu.region"() ({
        %run_scoped3A = tpu.sem_alloc : memref<!tpu.dma_semaphore, #tpu.memory_space<semaphore_mem>>
        %dma_start3A_134 = arith.constant 0 : i32
        %dma_start3A_135 = tpu.memref_slice %arg6[%add3A, %scan3A_16, %dma_start3A_134] : memref<32x79x128xi32, #tpu.memory_space<hbm>> -> memref<1x1x128xi32, #tpu.memory_space<hbm>>
        %dma_start3A_136 = tpu.memref_squeeze %dma_start3A_135 : memref<1x1x128xi32, #tpu.memory_space<hbm>> -> memref<128xi32, #tpu.memory_space<hbm>>
        %dma_start3A_137 = arith.constant 0 : i32
        %dma_start3A_138 = tpu.memref_slice %arg6[%add3A, %scan3A_16, %dma_start3A_137] : memref<32x79x128xi32, #tpu.memory_space<hbm>> -> memref<1x1x128xi32, #tpu.memory_space<hbm>>
        %dma_start3A_139 = tpu.memref_squeeze %dma_start3A_138 : memref<1x1x128xi32, #tpu.memory_space<hbm>> -> memref<128xi32, #tpu.memory_space<hbm>>
        tpu.enqueue_dma source(%dma_start3A_139 : memref<128xi32, #tpu.memory_space<hbm>>) target(%arg14 : memref<128xi32, #tpu.memory_space<vmem>>) target_semaphore(%run_scoped3A : memref<!tpu.dma_semaphore, #tpu.memory_space<semaphore_mem>>)
        %dma_wait3A_140 = arith.constant 0 : i32
        %dma_wait3A_141 = tpu.memref_slice %arg6[%add3A, %scan3A_16, %dma_wait3A_140] : memref<32x79x128xi32, #tpu.memory_space<hbm>> -> memref<1x1x128xi32, #tpu.memory_space<hbm>>
        %dma_wait3A_142 = tpu.memref_squeeze %dma_wait3A_141 : memref<1x1x128xi32, #tpu.memory_space<hbm>> -> memref<128xi32, #tpu.memory_space<hbm>>
        %dma_wait3A_143 = arith.constant 0 : i32
        %dma_wait3A_144 = tpu.memref_slice %arg6[%add3A, %scan3A_16, %dma_wait3A_143] : memref<32x79x128xi32, #tpu.memory_space<hbm>> -> memref<1x1x128xi32, #tpu.memory_space<hbm>>
        %dma_wait3A_145 = tpu.memref_squeeze %dma_wait3A_144 : memref<1x1x128xi32, #tpu.memory_space<hbm>> -> memref<128xi32, #tpu.memory_space<hbm>>
        tpu.wait_dma2 semaphore(%run_scoped3A : memref<!tpu.dma_semaphore, #tpu.memory_space<semaphore_mem>>) src(%dma_wait3A_145 : memref<128xi32, #tpu.memory_space<hbm>>) dst(%arg14 : memref<128xi32, #tpu.memory_space<vmem>>)
        tpu.yield
      }) : () -> ()
      %dma_start3A = arith.constant 0 : i32
      %dma_start3A_17 = arith.constant 0 : i32
      %dma_start3A_18 = tpu.memref_slice %arg2[%dma_start3A, %dma_start3A_17] : memref<10240x128xf32, #tpu.memory_space<hbm>> -> memref<10240x128xf32, #tpu.memory_space<hbm>>
      tpu.enqueue_indirect_dma source(%dma_start3A_18 : memref<10240x128xf32, #tpu.memory_space<hbm>>) target(%arg16 : memref<128x128xf32, #tpu.memory_space<vmem>>) offsets(%arg13 : memref<128xi32, #tpu.memory_space<vmem>>) semaphore(%arg19 : memref<!tpu.dma_semaphore, #tpu.memory_space<semaphore_mem>>)
      %get3A = arith.constant 0 : index
      %get3A_19 = tpu.vector_load %arg14[%get3A] {strides = array<i32>} : memref<128xi32, #tpu.memory_space<vmem>>, vector<16xi32>,
      %gather3A = tpu.vector_load_idx %arg11[%get3A_19] : memref<10240xf32, #tpu.memory_space<vmem>>[vector<16xi32>], vector<16xf32>,
      %get3A_20 = arith.constant 0 : index
      %get3A_21 = tpu.vector_load %arg13[%get3A_20] {strides = array<i32>} : memref<128xi32, #tpu.memory_space<vmem>>, vector<16xi32>,
      %gather3A_22 = tpu.vector_load_idx %arg12[%get3A_21] : memref<10240xf32, #tpu.memory_space<vmem>>[vector<16xi32>], vector<16xf32>,
      %add3A_23 = arith.addf %gather3A, %gather3A_22 : vector<16xf32>
      %mul3A_24 = arith.constant 2.000000e-01 : f32
      %mul3A_25 = vector.broadcast %mul3A_24 : f32 to vector<16xf32>
      %mul3A_26 = arith.mulf %mul3A_25, %add3A_23 : vector<16xf32>
      %max3A = arith.maximumf %add3A_23, %mul3A_26 : vector<16xf32>
      %exp3A = math.exp %max3A : vector<16xf32>
      %swap3A = arith.constant 0 : index
      %swap3A_27 = tpu.vector_load %arg15[%swap3A] {strides = array<i32>} : memref<128xf32, #tpu.memory_space<vmem>>, vector<16xf32>,
      tpu.vector_store %arg15[%swap3A], %exp3A {strides = array<i32>} : memref<128xf32, #tpu.memory_space<vmem>>, vector<16xf32>,
      %get3A_28 = arith.constant 16 : index
      %get3A_29 = tpu.vector_load %arg14[%get3A_28] {strides = array<i32>} : memref<128xi32, #tpu.memory_space<vmem>>, vector<16xi32>,
      %gather3A_30 = tpu.vector_load_idx %arg11[%get3A_29] : memref<10240xf32, #tpu.memory_space<vmem>>[vector<16xi32>], vector<16xf32>,
      %get3A_31 = arith.constant 16 : index
      %get3A_32 = tpu.vector_load %arg13[%get3A_31] {strides = array<i32>} : memref<128xi32, #tpu.memory_space<vmem>>, vector<16xi32>,
      %gather3A_33 = tpu.vector_load_idx %arg12[%get3A_32] : memref<10240xf32, #tpu.memory_space<vmem>>[vector<16xi32>], vector<16xf32>,
      %add3A_34 = arith.addf %gather3A_30, %gather3A_33 : vector<16xf32>
      %mul3A_35 = arith.constant 2.000000e-01 : f32
      %mul3A_36 = vector.broadcast %mul3A_35 : f32 to vector<16xf32>
      %mul3A_37 = arith.mulf %mul3A_36, %add3A_34 : vector<16xf32>
      %max3A_38 = arith.maximumf %add3A_34, %mul3A_37 : vector<16xf32>
      %exp3A_39 = math.exp %max3A_38 : vector<16xf32>
      %swap3A_40 = arith.constant 16 : index
      %swap3A_41 = tpu.vector_load %arg15[%swap3A_40] {strides = array<i32>} : memref<128xf32, #tpu.memory_space<vmem>>, vector<16xf32>,
      tpu.vector_store %arg15[%swap3A_40], %exp3A_39 {strides = array<i32>} : memref<128xf32, #tpu.memory_space<vmem>>, vector<16xf32>,
      %get3A_42 = arith.constant 32 : index
      %get3A_43 = tpu.vector_load %arg14[%get3A_42] {strides = array<i32>} : memref<128xi32, #tpu.memory_space<vmem>>, vector<16xi32>,
      %gather3A_44 = tpu.vector_load_idx %arg11[%get3A_43] : memref<10240xf32, #tpu.memory_space<vmem>>[vector<16xi32>], vector<16xf32>,
      %get3A_45 = arith.constant 32 : index
      %get3A_46 = tpu.vector_load %arg13[%get3A_45] {strides = array<i32>} : memref<128xi32, #tpu.memory_space<vmem>>, vector<16xi32>,
      %gather3A_47 = tpu.vector_load_idx %arg12[%get3A_46] : memref<10240xf32, #tpu.memory_space<vmem>>[vector<16xi32>], vector<16xf32>,
      %add3A_48 = arith.addf %gather3A_44, %gather3A_47 : vector<16xf32>
      %mul3A_49 = arith.constant 2.000000e-01 : f32
      %mul3A_50 = vector.broadcast %mul3A_49 : f32 to vector<16xf32>
      %mul3A_51 = arith.mulf %mul3A_50, %add3A_48 : vector<16xf32>
      %max3A_52 = arith.maximumf %add3A_48, %mul3A_51 : vector<16xf32>
      %exp3A_53 = math.exp %max3A_52 : vector<16xf32>
      %swap3A_54 = arith.constant 32 : index
      %swap3A_55 = tpu.vector_load %arg15[%swap3A_54] {strides = array<i32>} : memref<128xf32, #tpu.memory_space<vmem>>, vector<16xf32>,
      tpu.vector_store %arg15[%swap3A_54], %exp3A_53 {strides = array<i32>} : memref<128xf32, #tpu.memory_space<vmem>>, vector<16xf32>,
      %get3A_56 = arith.constant 48 : index
      %get3A_57 = tpu.vector_load %arg14[%get3A_56] {strides = array<i32>} : memref<128xi32, #tpu.memory_space<vmem>>, vector<16xi32>,
      %gather3A_58 = tpu.vector_load_idx %arg11[%get3A_57] : memref<10240xf32, #tpu.memory_space<vmem>>[vector<16xi32>], vector<16xf32>,
      %get3A_59 = arith.constant 48 : index
      %get3A_60 = tpu.vector_load %arg13[%get3A_59] {strides = array<i32>} : memref<128xi32, #tpu.memory_space<vmem>>, vector<16xi32>,
      %gather3A_61 = tpu.vector_load_idx %arg12[%get3A_60] : memref<10240xf32, #tpu.memory_space<vmem>>[vector<16xi32>], vector<16xf32>,
      %add3A_62 = arith.addf %gather3A_58, %gather3A_61 : vector<16xf32>
      %mul3A_63 = arith.constant 2.000000e-01 : f32
      %mul3A_64 = vector.broadcast %mul3A_63 : f32 to vector<16xf32>
      %mul3A_65 = arith.mulf %mul3A_64, %add3A_62 : vector<16xf32>
      %max3A_66 = arith.maximumf %add3A_62, %mul3A_65 : vector<16xf32>
      %exp3A_67 = math.exp %max3A_66 : vector<16xf32>
      %swap3A_68 = arith.constant 48 : index
      %swap3A_69 = tpu.vector_load %arg15[%swap3A_68] {strides = array<i32>} : memref<128xf32, #tpu.memory_space<vmem>>, vector<16xf32>,
      tpu.vector_store %arg15[%swap3A_68], %exp3A_67 {strides = array<i32>} : memref<128xf32, #tpu.memory_space<vmem>>, vector<16xf32>,
      %get3A_70 = arith.constant 64 : index
      %get3A_71 = tpu.vector_load %arg14[%get3A_70] {strides = array<i32>} : memref<128xi32, #tpu.memory_space<vmem>>, vector<16xi32>,
      %gather3A_72 = tpu.vector_load_idx %arg11[%get3A_71] : memref<10240xf32, #tpu.memory_space<vmem>>[vector<16xi32>], vector<16xf32>,
      %get3A_73 = arith.constant 64 : index
      %get3A_74 = tpu.vector_load %arg13[%get3A_73] {strides = array<i32>} : memref<128xi32, #tpu.memory_space<vmem>>, vector<16xi32>,
      %gather3A_75 = tpu.vector_load_idx %arg12[%get3A_74] : memref<10240xf32, #tpu.memory_space<vmem>>[vector<16xi32>], vector<16xf32>,
      %add3A_76 = arith.addf %gather3A_72, %gather3A_75 : vector<16xf32>
      %mul3A_77 = arith.constant 2.000000e-01 : f32
      %mul3A_78 = vector.broadcast %mul3A_77 : f32 to vector<16xf32>
      %mul3A_79 = arith.mulf %mul3A_78, %add3A_76 : vector<16xf32>
      %max3A_80 = arith.maximumf %add3A_76, %mul3A_79 : vector<16xf32>
      %exp3A_81 = math.exp %max3A_80 : vector<16xf32>
      %swap3A_82 = arith.constant 64 : index
      %swap3A_83 = tpu.vector_load %arg15[%swap3A_82] {strides = array<i32>} : memref<128xf32, #tpu.memory_space<vmem>>, vector<16xf32>,
      tpu.vector_store %arg15[%swap3A_82], %exp3A_81 {strides = array<i32>} : memref<128xf32, #tpu.memory_space<vmem>>, vector<16xf32>,
      %get3A_84 = arith.constant 80 : index
      %get3A_85 = tpu.vector_load %arg14[%get3A_84] {strides = array<i32>} : memref<128xi32, #tpu.memory_space<vmem>>, vector<16xi32>,
      %gather3A_86 = tpu.vector_load_idx %arg11[%get3A_85] : memref<10240xf32, #tpu.memory_space<vmem>>[vector<16xi32>], vector<16xf32>,
      %get3A_87 = arith.constant 80 : index
      %get3A_88 = tpu.vector_load %arg13[%get3A_87] {strides = array<i32>} : memref<128xi32, #tpu.memory_space<vmem>>, vector<16xi32>,
      %gather3A_89 = tpu.vector_load_idx %arg12[%get3A_88] : memref<10240xf32, #tpu.memory_space<vmem>>[vector<16xi32>], vector<16xf32>,
      %add3A_90 = arith.addf %gather3A_86, %gather3A_89 : vector<16xf32>
      %mul3A_91 = arith.constant 2.000000e-01 : f32
      %mul3A_92 = vector.broadcast %mul3A_91 : f32 to vector<16xf32>
      %mul3A_93 = arith.mulf %mul3A_92, %add3A_90 : vector<16xf32>
      %max3A_94 = arith.maximumf %add3A_90, %mul3A_93 : vector<16xf32>
      %exp3A_95 = math.exp %max3A_94 : vector<16xf32>
      %swap3A_96 = arith.constant 80 : index
      %swap3A_97 = tpu.vector_load %arg15[%swap3A_96] {strides = array<i32>} : memref<128xf32, #tpu.memory_space<vmem>>, vector<16xf32>,
      tpu.vector_store %arg15[%swap3A_96], %exp3A_95 {strides = array<i32>} : memref<128xf32, #tpu.memory_space<vmem>>, vector<16xf32>,
      %get3A_98 = arith.constant 96 : index
      %get3A_99 = tpu.vector_load %arg14[%get3A_98] {strides = array<i32>} : memref<128xi32, #tpu.memory_space<vmem>>, vector<16xi32>,
      %gather3A_100 = tpu.vector_load_idx %arg11[%get3A_99] : memref<10240xf32, #tpu.memory_space<vmem>>[vector<16xi32>], vector<16xf32>,
      %get3A_101 = arith.constant 96 : index
      %get3A_102 = tpu.vector_load %arg13[%get3A_101] {strides = array<i32>} : memref<128xi32, #tpu.memory_space<vmem>>, vector<16xi32>,
      %gather3A_103 = tpu.vector_load_idx %arg12[%get3A_102] : memref<10240xf32, #tpu.memory_space<vmem>>[vector<16xi32>], vector<16xf32>,
      %add3A_104 = arith.addf %gather3A_100, %gather3A_103 : vector<16xf32>
      %mul3A_105 = arith.constant 2.000000e-01 : f32
      %mul3A_106 = vector.broadcast %mul3A_105 : f32 to vector<16xf32>
      %mul3A_107 = arith.mulf %mul3A_106, %add3A_104 : vector<16xf32>
      %max3A_108 = arith.maximumf %add3A_104, %mul3A_107 : vector<16xf32>
      %exp3A_109 = math.exp %max3A_108 : vector<16xf32>
      %swap3A_110 = arith.constant 96 : index
      %swap3A_111 = tpu.vector_load %arg15[%swap3A_110] {strides = array<i32>} : memref<128xf32, #tpu.memory_space<vmem>>, vector<16xf32>,
      tpu.vector_store %arg15[%swap3A_110], %exp3A_109 {strides = array<i32>} : memref<128xf32, #tpu.memory_space<vmem>>, vector<16xf32>,
      %get3A_112 = arith.constant 112 : index
      %get3A_113 = tpu.vector_load %arg14[%get3A_112] {strides = array<i32>} : memref<128xi32, #tpu.memory_space<vmem>>, vector<16xi32>,
      %gather3A_114 = tpu.vector_load_idx %arg11[%get3A_113] : memref<10240xf32, #tpu.memory_space<vmem>>[vector<16xi32>], vector<16xf32>,
      %get3A_115 = arith.constant 112 : index
      %get3A_116 = tpu.vector_load %arg13[%get3A_115] {strides = array<i32>} : memref<128xi32, #tpu.memory_space<vmem>>, vector<16xi32>,
      %gather3A_117 = tpu.vector_load_idx %arg12[%get3A_116] : memref<10240xf32, #tpu.memory_space<vmem>>[vector<16xi32>], vector<16xf32>,
      %add3A_118 = arith.addf %gather3A_114, %gather3A_117 : vector<16xf32>
      %mul3A_119 = arith.constant 2.000000e-01 : f32
      %mul3A_120 = vector.broadcast %mul3A_119 : f32 to vector<16xf32>
      %mul3A_121 = arith.mulf %mul3A_120, %add3A_118 : vector<16xf32>
      %max3A_122 = arith.maximumf %add3A_118, %mul3A_121 : vector<16xf32>
      %exp3A_123 = math.exp %max3A_122 : vector<16xf32>
      %swap3A_124 = arith.constant 112 : index
      %swap3A_125 = tpu.vector_load %arg15[%swap3A_124] {strides = array<i32>} : memref<128xf32, #tpu.memory_space<vmem>>, vector<16xf32>,
      tpu.vector_store %arg15[%swap3A_124], %exp3A_123 {strides = array<i32>} : memref<128xf32, #tpu.memory_space<vmem>>, vector<16xf32>,
      "tpu.region"() ({
        %run_scoped3A = tpu.sem_alloc : memref<!tpu.dma_semaphore, #tpu.memory_space<semaphore_mem>>
        %dma_start3A_134 = arith.constant 0 : i32
        %dma_start3A_135 = tpu.memref_slice %arg18[%dma_start3A_134] : memref<10240xf32, #tpu.memory_space<vmem_shared>> -> memref<10240xf32, #tpu.memory_space<vmem_shared>>
        tpu.enqueue_indirect_dma source(%arg15 : memref<128xf32, #tpu.memory_space<vmem>>) target(%dma_start3A_135 : memref<10240xf32, #tpu.memory_space<vmem_shared>>) offsets(%arg14 : memref<128xi32, #tpu.memory_space<vmem>>) semaphore(%run_scoped3A : memref<!tpu.dma_semaphore, #tpu.memory_space<semaphore_mem>>) {add = true}
        %dma_wait3A_136 = arith.constant 0 : i32
        %dma_wait3A_137 = tpu.memref_slice %arg18[%dma_wait3A_136] : memref<10240xf32, #tpu.memory_space<vmem_shared>> -> memref<10240xf32, #tpu.memory_space<vmem_shared>>
        tpu.wait_indirect_dma semaphore(%run_scoped3A : memref<!tpu.dma_semaphore, #tpu.memory_space<semaphore_mem>>) src(%arg15 : memref<128xf32, #tpu.memory_space<vmem>>) dst(%dma_wait3A_137 : memref<10240xf32, #tpu.memory_space<vmem_shared>>)
        tpu.yield
      }) : () -> ()
      %dma_wait3A = arith.constant 0 : i32
      %dma_wait3A_126 = arith.constant 0 : i32
      %dma_wait3A_127 = tpu.memref_slice %arg2[%dma_wait3A, %dma_wait3A_126] : memref<10240x128xf32, #tpu.memory_space<hbm>> -> memref<10240x128xf32, #tpu.memory_space<hbm>>
      tpu.wait_indirect_dma semaphore(%arg19 : memref<!tpu.dma_semaphore, #tpu.memory_space<semaphore_mem>>) src(%dma_wait3A_127 : memref<10240x128xf32, #tpu.memory_space<hbm>>) dst(%arg16 : memref<128x128xf32, #tpu.memory_space<vmem>>)
      %scan3A_128 = arith.constant 0 : i32
      %scan3A_129 = arith.constant 0 : i32
      %scan3A_130 = arith.constant 128 : i32
      %scan3A_131 = arith.addi %scan3A_129, %scan3A_130 : i32
      %scan3A_132 = arith.constant 1 : i32
      scf.for %scan3A_134 = %scan3A_129 to %scan3A_131 step %scan3A_132  : i32 {
        %broadcast_in_dim3A = vector.broadcast %scan3A_134 : i32 to vector<16xi32>
        %gather3A_135 = tpu.vector_load_idx %arg15[%broadcast_in_dim3A] : memref<128xf32, #tpu.memory_space<vmem>>[vector<16xi32>], vector<16xf32>,
        %get3A_136 = arith.index_cast %scan3A_134 : i32 to index
        %get3A_137 = arith.constant 0 : index
        %get3A_138 = tpu.vector_load %arg16[%get3A_136, %get3A_137] {strides = array<i32>} : memref<128x128xf32, #tpu.memory_space<vmem>>, vector<16xf32>,
        %mul3A_139 = arith.mulf %get3A_138, %gather3A_135 : vector<16xf32>
        %swap3A_140 = arith.index_cast %scan3A_134 : i32 to index
        %swap3A_141 = arith.constant 0 : index
        %swap3A_142 = tpu.vector_load %arg16[%swap3A_140, %swap3A_141] {strides = array<i32>} : memref<128x128xf32, #tpu.memory_space<vmem>>, vector<16xf32>,
        tpu.vector_store %arg16[%swap3A_140, %swap3A_141], %mul3A_139 {strides = array<i32>} : memref<128x128xf32, #tpu.memory_space<vmem>>, vector<16xf32>,
        %get3A_143 = arith.index_cast %scan3A_134 : i32 to index
        %get3A_144 = arith.constant 16 : index
        %get3A_145 = tpu.vector_load %arg16[%get3A_143, %get3A_144] {strides = array<i32>} : memref<128x128xf32, #tpu.memory_space<vmem>>, vector<16xf32>,
        %mul3A_146 = arith.mulf %get3A_145, %gather3A_135 : vector<16xf32>
        %swap3A_147 = arith.index_cast %scan3A_134 : i32 to index
        %swap3A_148 = arith.constant 16 : index
        %swap3A_149 = tpu.vector_load %arg16[%swap3A_147, %swap3A_148] {strides = array<i32>} : memref<128x128xf32, #tpu.memory_space<vmem>>, vector<16xf32>,
        tpu.vector_store %arg16[%swap3A_147, %swap3A_148], %mul3A_146 {strides = array<i32>} : memref<128x128xf32, #tpu.memory_space<vmem>>, vector<16xf32>,
        %get3A_150 = arith.index_cast %scan3A_134 : i32 to index
        %get3A_151 = arith.constant 32 : index
        %get3A_152 = tpu.vector_load %arg16[%get3A_150, %get3A_151] {strides = array<i32>} : memref<128x128xf32, #tpu.memory_space<vmem>>, vector<16xf32>,
        %mul3A_153 = arith.mulf %get3A_152, %gather3A_135 : vector<16xf32>
        %swap3A_154 = arith.index_cast %scan3A_134 : i32 to index
        %swap3A_155 = arith.constant 32 : index
        %swap3A_156 = tpu.vector_load %arg16[%swap3A_154, %swap3A_155] {strides = array<i32>} : memref<128x128xf32, #tpu.memory_space<vmem>>, vector<16xf32>,
        tpu.vector_store %arg16[%swap3A_154, %swap3A_155], %mul3A_153 {strides = array<i32>} : memref<128x128xf32, #tpu.memory_space<vmem>>, vector<16xf32>,
        %get3A_157 = arith.index_cast %scan3A_134 : i32 to index
        %get3A_158 = arith.constant 48 : index
        %get3A_159 = tpu.vector_load %arg16[%get3A_157, %get3A_158] {strides = array<i32>} : memref<128x128xf32, #tpu.memory_space<vmem>>, vector<16xf32>,
        %mul3A_160 = arith.mulf %get3A_159, %gather3A_135 : vector<16xf32>
        %swap3A_161 = arith.index_cast %scan3A_134 : i32 to index
        %swap3A_162 = arith.constant 48 : index
        %swap3A_163 = tpu.vector_load %arg16[%swap3A_161, %swap3A_162] {strides = array<i32>} : memref<128x128xf32, #tpu.memory_space<vmem>>, vector<16xf32>,
        tpu.vector_store %arg16[%swap3A_161, %swap3A_162], %mul3A_160 {strides = array<i32>} : memref<128x128xf32, #tpu.memory_space<vmem>>, vector<16xf32>,
        %get3A_164 = arith.index_cast %scan3A_134 : i32 to index
        %get3A_165 = arith.constant 64 : index
        %get3A_166 = tpu.vector_load %arg16[%get3A_164, %get3A_165] {strides = array<i32>} : memref<128x128xf32, #tpu.memory_space<vmem>>, vector<16xf32>,
        %mul3A_167 = arith.mulf %get3A_166, %gather3A_135 : vector<16xf32>
        %swap3A_168 = arith.index_cast %scan3A_134 : i32 to index
        %swap3A_169 = arith.constant 64 : index
        %swap3A_170 = tpu.vector_load %arg16[%swap3A_168, %swap3A_169] {strides = array<i32>} : memref<128x128xf32, #tpu.memory_space<vmem>>, vector<16xf32>,
        tpu.vector_store %arg16[%swap3A_168, %swap3A_169], %mul3A_167 {strides = array<i32>} : memref<128x128xf32, #tpu.memory_space<vmem>>, vector<16xf32>,
        %get3A_171 = arith.index_cast %scan3A_134 : i32 to index
        %get3A_172 = arith.constant 80 : index
        %get3A_173 = tpu.vector_load %arg16[%get3A_171, %get3A_172] {strides = array<i32>} : memref<128x128xf32, #tpu.memory_space<vmem>>, vector<16xf32>,
        %mul3A_174 = arith.mulf %get3A_173, %gather3A_135 : vector<16xf32>
        %swap3A_175 = arith.index_cast %scan3A_134 : i32 to index
        %swap3A_176 = arith.constant 80 : index
        %swap3A_177 = tpu.vector_load %arg16[%swap3A_175, %swap3A_176] {strides = array<i32>} : memref<128x128xf32, #tpu.memory_space<vmem>>, vector<16xf32>,
        tpu.vector_store %arg16[%swap3A_175, %swap3A_176], %mul3A_174 {strides = array<i32>} : memref<128x128xf32, #tpu.memory_space<vmem>>, vector<16xf32>,
        %get3A_178 = arith.index_cast %scan3A_134 : i32 to index
        %get3A_179 = arith.constant 96 : index
        %get3A_180 = tpu.vector_load %arg16[%get3A_178, %get3A_179] {strides = array<i32>} : memref<128x128xf32, #tpu.memory_space<vmem>>, vector<16xf32>,
        %mul3A_181 = arith.mulf %get3A_180, %gather3A_135 : vector<16xf32>
        %swap3A_182 = arith.index_cast %scan3A_134 : i32 to index
        %swap3A_183 = arith.constant 96 : index
        %swap3A_184 = tpu.vector_load %arg16[%swap3A_182, %swap3A_183] {strides = array<i32>} : memref<128x128xf32, #tpu.memory_space<vmem>>, vector<16xf32>,
        tpu.vector_store %arg16[%swap3A_182, %swap3A_183], %mul3A_181 {strides = array<i32>} : memref<128x128xf32, #tpu.memory_space<vmem>>, vector<16xf32>,
        %get3A_185 = arith.index_cast %scan3A_134 : i32 to index
        %get3A_186 = arith.constant 112 : index
        %get3A_187 = tpu.vector_load %arg16[%get3A_185, %get3A_186] {strides = array<i32>} : memref<128x128xf32, #tpu.memory_space<vmem>>, vector<16xf32>,
        %mul3A_188 = arith.mulf %get3A_187, %gather3A_135 : vector<16xf32>
        %swap3A_189 = arith.index_cast %scan3A_134 : i32 to index
        %swap3A_190 = arith.constant 112 : index
        %swap3A_191 = tpu.vector_load %arg16[%swap3A_189, %swap3A_190] {strides = array<i32>} : memref<128x128xf32, #tpu.memory_space<vmem>>, vector<16xf32>,
        tpu.vector_store %arg16[%swap3A_189, %swap3A_190], %mul3A_188 {strides = array<i32>} : memref<128x128xf32, #tpu.memory_space<vmem>>, vector<16xf32>,
      }
      %scan3A_133 = arith.constant 128 : i32
      "tpu.region"() ({
        %run_scoped3A = tpu.sem_alloc : memref<!tpu.dma_semaphore, #tpu.memory_space<semaphore_mem>>
        %dma_start3A_134 = arith.constant 0 : i32
        %dma_start3A_135 = arith.constant 0 : i32
        %dma_start3A_136 = tpu.memref_slice %arg17[%dma_start3A_134, %dma_start3A_135] : memref<10240x128xf32, #tpu.memory_space<vmem_shared>> -> memref<10240x128xf32, #tpu.memory_space<vmem_shared>>
        tpu.enqueue_indirect_dma source(%arg16 : memref<128x128xf32, #tpu.memory_space<vmem>>) target(%dma_start3A_136 : memref<10240x128xf32, #tpu.memory_space<vmem_shared>>) offsets(%arg14 : memref<128xi32, #tpu.memory_space<vmem>>) semaphore(%run_scoped3A : memref<!tpu.dma_semaphore, #tpu.memory_space<semaphore_mem>>) {add = true}
        %dma_wait3A_137 = arith.constant 0 : i32
        %dma_wait3A_138 = arith.constant 0 : i32
        %dma_wait3A_139 = tpu.memref_slice %arg17[%dma_wait3A_137, %dma_wait3A_138] : memref<10240x128xf32, #tpu.memory_space<vmem_shared>> -> memref<10240x128xf32, #tpu.memory_space<vmem_shared>>
        tpu.wait_indirect_dma semaphore(%run_scoped3A : memref<!tpu.dma_semaphore, #tpu.memory_space<semaphore_mem>>) src(%arg16 : memref<128x128xf32, #tpu.memory_space<vmem>>) dst(%dma_wait3A_139 : memref<10240x128xf32, #tpu.memory_space<vmem_shared>>)
        tpu.yield
      }) : () -> ()
    }
    %scan3A_9 = arith.constant 79 : i32
    %barrier3A_10 = arith.constant 0 : index
    tpu.barrier barrier_id(%barrier3A_10)
    "tpu.region"() ({
      %run_scoped3A = tpu.sem_alloc : memref<!tpu.dma_semaphore, #tpu.memory_space<semaphore_mem>>
      %dma_start3A = arith.constant 0 : i32
      %dma_start3A_16 = tpu.memref_slice %arg9[%arg0, %mul3A_2, %dma_start3A] : memref<2x10240x128xf32, #tpu.memory_space<hbm>> -> memref<1x640x128xf32, #tpu.memory_space<hbm>>
      %dma_start3A_17 = tpu.memref_squeeze %dma_start3A_16 : memref<1x640x128xf32, #tpu.memory_space<hbm>> -> memref<640x128xf32, #tpu.memory_space<hbm>>
      %dma_start3A_18 = arith.constant 0 : i32
      %dma_start3A_19 = tpu.memref_slice %arg17[%mul3A_2, %dma_start3A_18] : memref<10240x128xf32, #tpu.memory_space<vmem_shared>> -> memref<640x128xf32, #tpu.memory_space<vmem_shared>>
      tpu.enqueue_dma source(%dma_start3A_19 : memref<640x128xf32, #tpu.memory_space<vmem_shared>>) target(%dma_start3A_17 : memref<640x128xf32, #tpu.memory_space<hbm>>) target_semaphore(%run_scoped3A : memref<!tpu.dma_semaphore, #tpu.memory_space<semaphore_mem>>)
      %dma_wait3A = arith.constant 0 : i32
      %dma_wait3A_20 = tpu.memref_slice %arg9[%arg0, %mul3A_2, %dma_wait3A] : memref<2x10240x128xf32, #tpu.memory_space<hbm>> -> memref<1x640x128xf32, #tpu.memory_space<hbm>>
      %dma_wait3A_21 = tpu.memref_squeeze %dma_wait3A_20 : memref<1x640x128xf32, #tpu.memory_space<hbm>> -> memref<640x128xf32, #tpu.memory_space<hbm>>
      %dma_wait3A_22 = arith.constant 0 : i32
      %dma_wait3A_23 = tpu.memref_slice %arg17[%mul3A_2, %dma_wait3A_22] : memref<10240x128xf32, #tpu.memory_space<vmem_shared>> -> memref<640x128xf32, #tpu.memory_space<vmem_shared>>
      tpu.wait_dma2 semaphore(%run_scoped3A : memref<!tpu.dma_semaphore, #tpu.memory_space<semaphore_mem>>) src(%dma_wait3A_23 : memref<640x128xf32, #tpu.memory_space<vmem_shared>>) dst(%dma_wait3A_21 : memref<640x128xf32, #tpu.memory_space<hbm>>)
      tpu.yield
    }) : () -> ()
    %eq3A_11 = arith.constant 0 : i32
    %eq3A_12 = arith.cmpi eq, %arg1, %eq3A_11 : i32
    %convert_element_type3A_13 = arith.extui %eq3A_12 : i1 to i32
    %cond3A_14 = arith.constant 0 : i32
    %cond3A_15 = arith.cmpi ne, %convert_element_type3A_13, %cond3A_14 : i32
    scf.if %cond3A_15 {
      "tpu.region"() ({
        %run_scoped3A = tpu.sem_alloc : memref<!tpu.dma_semaphore, #tpu.memory_space<semaphore_mem>>
        %dma_start3A = arith.constant 0 : i32
        %dma_start3A_16 = tpu.memref_slice %arg10[%arg0, %dma_start3A] : memref<2x10240xf32, #tpu.memory_space<hbm>> -> memref<1x10240xf32, #tpu.memory_space<hbm>>
        %dma_start3A_17 = tpu.memref_squeeze %dma_start3A_16 : memref<1x10240xf32, #tpu.memory_space<hbm>> -> memref<10240xf32, #tpu.memory_space<hbm>>
        tpu.enqueue_dma source(%arg18 : memref<10240xf32, #tpu.memory_space<vmem_shared>>) target(%dma_start3A_17 : memref<10240xf32, #tpu.memory_space<hbm>>) target_semaphore(%run_scoped3A : memref<!tpu.dma_semaphore, #tpu.memory_space<semaphore_mem>>)
        %dma_wait3A = arith.constant 0 : i32
        %dma_wait3A_18 = tpu.memref_slice %arg10[%arg0, %dma_wait3A] : memref<2x10240xf32, #tpu.memory_space<hbm>> -> memref<1x10240xf32, #tpu.memory_space<hbm>>
        %dma_wait3A_19 = tpu.memref_squeeze %dma_wait3A_18 : memref<1x10240xf32, #tpu.memory_space<hbm>> -> memref<10240xf32, #tpu.memory_space<hbm>>
        tpu.wait_dma2 semaphore(%run_scoped3A : memref<!tpu.dma_semaphore, #tpu.memory_space<semaphore_mem>>) src(%arg18 : memref<10240xf32, #tpu.memory_space<vmem_shared>>) dst(%dma_wait3A_19 : memref<10240xf32, #tpu.memory_space<hbm>>)
        tpu.yield
      }) : () -> ()
    } else {
    }
    return
  }
}

</mosaic_0001>

<sc_bundles>
// kernel: _sc_edges.3.cloned.1.call-start
scs
__scs_entry_jumppad:
0x0: {  	(pc) =	sbr.rel $0x88, $3  }
0x1: {  	(tag) =	ssettag $0x0;
	lr =	simm.s32 $0x1  }
0x2: {  	[smem:$0x3F9A] =	sst lr;
	_ =	strace $0xD0000000  }
0x3: {  	_ = 	snop  }
0x4: {  	_ = 	snop  }
0x5: {  	_ = 	snop  }
0x6: {  	_ = 	snop  }
0x7: {  	_ = 	snop  }
__scs_overlays_trampoline_lowered:
0x8: {  	[smem:$0x3FA9] =	sst s0  }
0x9: {  	[smem:$0x3FAA] =	sst s1  }
0xa: {  	[smem:$0x3FAB] =	sst s2  }
0xb: {  	[smem:$0x3FAC] =	sst s3  }
0xc: {  	[smem:$0x3FAD] =	sst s4  }
0xd: {  	[smem:$0x3FAE] =	sst s5  }
0xe: {  	[smem:$0x3FAF] =	sst s6  }
0xf: {  	[smem:$0x3FB0] =	sst s7  }
0x10: {  	[smem:$0x3FB1] =	sst s8  }
0x11: {  	[smem:$0x3FB2] =	sst s9;
	s0 =	simm.s32 @!p0 $0x0  }
0x12: {  	s1 =	sld [smem:$0x3F98];
	s0 =	simm.s32 @p0 $0x1  }
0x13: {  	[smem:$0x3FB3] =	sst s0;
	s0 =	simm.s32 @!p1 $0x0  }
0x14: {  	s2 =	sld [smem:$0x3F97];
	s0 =	simm.s32 @p1 $0x1  }
0x15: {  	[smem:$0x3FB4] =	sst s0;
	s0 =	simm.s32 @!p2 $0x0  }
0x16: {  	s3 =	sld [smem:$0x3FDB];
	s0 =	simm.s32 @p2 $0x1  }
0x17: {  	s4 =	simm.s32 $0x1BF5;
	[smem:$0x3FB6] =	sst s0  }
0x18: {  	s0 =	sld [smem:$0x3F99];
	_ =	swait.ge [sflag:s4], $0x0  }
0x19: {  	s7 =	sld [smem:$0x3F9A]  }
0x1a: {  	s8 =	sadd.s32 $0xFFFFE003, lr  }
0x1b: {  	s9 =	sadd.s32 $0xFFFFFEF7, lr;
	s5 =	simm.s32 $0xFFFFFFFF;
	p2 =	slt.u32 s8, $0xFFFFF086  }
0x1c: {  	p1 =	slt.u32 s9, $0xF7A;
	s5 =	simm.s32 @!p2 $0x0  }
0x1d: {  	s5 =	simm.s32 @p1 $0x1;
	p0 =	seq.s32 s7, s2  }
0x1e: {  	s7 =	smul.u32 @!p0 $0xF7A, s2;
	p2 =	seq.s32 @!p0 s5, $0x0  }
0x1f: {  	s9 =	smul.u32 $0xF7A, s1;
	s8 =	simm.s32 @!p0 $0x1BF5;
	p2 =	por !p2, p0  }
0x20: {  	[sflag:s8] =	ssyncset.s32 @!p0 $0xFFFFF086;
	s6 =	sadd.s32 @!p0 s3, s7;
	s7 =	simm.s32 @!p0 $0x108  }
0x21: {  	s3 =	sadd.s32 s3, s9;
	s6 =	sadd.s32 @!p0 $0x88, s6;
	s7 =	simm.s32 @p2 $0x1082  }
0x22: {  	[simem:s7], [sflag:s8] =	dma.local @!p0 [hbm:s6], $0xF7A  }
0x23: {  	s9 =	sor.u32 $0xD0000000, s2;
	s6 =	simm.s32 $0x108;
	_ =	swait.ge @!p0 [sflag:s8], $0x0  }
0x24: {  	s3 =	sadd.s32 $0x88, s3;
	s6 =	simm.s32 @!p1 $0x1082;
	[sflag:s4] =	ssyncset.s32 $0xFFFFF086  }
0x25: {  	[simem:s6], [sflag:s4] =	dma.local [hbm:s3], $0xF7A  }
0x26: {  	[smem:$0x3F9A] =	sst s1;
	(tag) =	ssettag s2;
	_ =	strace s9  }
0x27: {  	s1 =	sld [smem:$0x3FAA]  }
0x28: {  	s2 =	sld [smem:$0x3FAB]  }
0x29: {  	s4 =	sld [smem:$0x3FAD]  }
0x2a: {  	p0 =	seq.s32 s5, $0x0;
	s5 =	sld [smem:$0x3FAE]  }
0x2b: {  	s6 =	sld [smem:$0x3FAF]  }
0x2c: {  	s7 =	sld [smem:$0x3FB0]  }
0x2d: {  	s3 =	simm.s32 $0x108;
	s8 =	sld [smem:$0x3FB1]  }
0x2e: {  	s3 =	simm.s32 @!p0 $0x1082;
	s9 =	sld [smem:$0x3FB2]  }
0x2f: {  	lr =	sadd.s32 s0, s3;
	s0 =	sld [smem:$0x3FA9]  }
0x30: {  	s3 =	sld [smem:$0x3FAC]  }
0x31: {  	[smem:$0x3FB5] =	sst s10  }
0x32: {  	s10 =	sld [smem:$0x3FB3];
	_ =	sdelay $0x3  }
0x33: {  	p0 =	seq.s32 s10, $0x1;
	s10 =	sld [smem:$0x3FB5];
	_ =	sdelay $0x3  }
0x34: {  	[smem:$0x3FB5] =	sst s10  }
0x35: {  	s10 =	sld [smem:$0x3FB4];
	_ =	sdelay $0x3  }
0x36: {  	p1 =	seq.s32 s10, $0x1;
	s10 =	sld [smem:$0x3FB5];
	_ =	sdelay $0x3  }
0x37: {  	[smem:$0x3FB5] =	sst s10  }
0x38: {  	s10 =	sld [smem:$0x3FB6]  }
0x39: {  	_ = 	snop;
	(pc) =	sbr.ind lr, $3  }
0x3a: {  	_ = 	snop  }
0x3b: {  	_ = 	snop  }
0x3c: {  	p2 =	seq.s32 s10, $0x1;
	s10 =	sld [smem:$0x3FB5]  }
0x3d: {  	_ =	shalt  }
0x3e: {  	_ =	shalt  }
0x3f: {  	_ =	shalt  }
0x40: {  	_ =	shalt  }
0x41: {  	_ =	shalt  }
0x42: {  	_ =	shalt  }
0x43: {  	_ =	shalt  }
0x44: {  	_ =	shalt  }
0x45: {  	_ =	shalt  }
0x46: {  	_ =	shalt  }
0x47: {  	_ =	shalt  }
0x48: {  	_ =	shalt  }
0x49: {  	_ =	shalt  }
0x4a: {  	_ =	shalt  }
0x4b: {  	_ =	shalt  }
0x4c: {  	_ =	shalt  }
0x4d: {  	_ =	shalt  }
0x4e: {  	_ =	shalt  }
0x4f: {  	_ =	shalt  }
0x50: {  	_ =	shalt  }
0x51: {  	_ =	shalt  }
0x52: {  	_ =	shalt  }
0x53: {  	_ =	shalt  }
0x54: {  	_ =	shalt  }
0x55: {  	_ =	shalt  }
0x56: {  	_ =	shalt  }
0x57: {  	_ =	shalt  }
0x58: {  	_ =	shalt  }
0x59: {  	_ =	shalt  }
0x5a: {  	_ =	shalt  }
0x5b: {  	_ =	shalt  }
0x5c: {  	_ =	shalt  }
0x5d: {  	_ =	shalt  }
0x5e: {  	_ =	shalt  }
0x5f: {  	_ =	shalt  }
0x60: {  	_ =	shalt  }
0x61: {  	_ =	shalt  }
0x62: {  	_ =	shalt  }
0x63: {  	_ =	shalt  }
0x64: {  	_ =	shalt  }
0x65: {  	_ =	shalt  }
0x66: {  	_ =	shalt  }
0x67: {  	_ =	shalt  }
0x68: {  	_ =	shalt  }
0x69: {  	_ =	shalt  }
0x6a: {  	_ =	shalt  }
0x6b: {  	_ =	shalt  }
0x6c: {  	_ =	shalt  }
0x6d: {  	_ =	shalt  }
0x6e: {  	_ =	shalt  }
0x6f: {  	_ =	shalt  }
0x70: {  	_ =	shalt  }
0x71: {  	_ =	shalt  }
0x72: {  	_ =	shalt  }
0x73: {  	_ =	shalt  }
0x74: {  	_ =	shalt  }
0x75: {  	_ =	shalt  }
0x76: {  	_ =	shalt  }
0x77: {  	_ =	shalt  }
0x78: {  	_ =	shalt  }
0x79: {  	_ =	shalt  }
0x7a: {  	_ =	shalt  }
0x7b: {  	_ =	shalt  }
0x7c: {  	_ =	shalt  }
0x7d: {  	_ =	shalt  }
0x7e: {  	_ =	shalt  }
0x7f: {  	_ =	shalt  }
0x80: {  	_ =	shalt  }
0x81: {  	_ =	shalt  }
0x82: {  	_ =	shalt  }
0x83: {  	_ =	shalt  }
0x84: {  	_ =	shalt  }
0x85: {  	_ =	shalt  }
0x86: {  	_ =	shalt  }
0x87: {  	_ =	shalt  }
.Lfunc_end0:
.L_simem_size_0:
called_computation_lowered:
.L_overlay_start_0:
0x88: {  	s2 =	sld [smem:$0x3FD9]  }
0x89: {  	s3 =	sld [smem:$0x3FFE];
	_ =	sdelay $0x1  }
0x8a: {  	s1 =	srdreg.scid  }
0x8b: {  	s0 =	sand.u32 $0x1, s1  }
0x8c: {  	s14 =	sshll.u32 s0, $0xA;
	s2 =	sadd.s32 s3, s2  }
0x8d: {  	s2 =	sadd.s32 s2, s14  }
0x8e: {  	[smem:$0x3FC1] =	sst s2  }
0x8f: {  	_ = 	snop  }
0x90: {  	s2 =	sld [smem:$0x3FC9]  }
0x91: {  	s15 =	sld [smem:$0x3FC8]  }
0x92: {  	s4 =	sld [smem:$0x3FD0]  }
0x93: {  	s5 =	sld [smem:$0x3FC7]  }
0x94: {  	s6 =	sld [smem:$0x3FC4]  }
0x95: {  	s8 =	simm.s32 $0xA;
	s9 =	simm.s32 $0x10;
	s7 =	sld [smem:$0x3FC3]  }
0x96: {  	[smem:s9], [sflag:s8] =	dma.local [hbm:s4], $0x1  }
0x97: {  	_ =	swait.eq [sflag:s8], $0x1  }
0x98: {  	[sflag:s8] =	ssyncset.done $0x0  }
0x99: {  	s16 =	sld [smem:$0x10];
	[sflag:s8] =	ssyncadd.s32 $0xFFFFFFFF  }
0x9a: {  	s17 =	sld [smem:$0x11];
	(tm) =	ssettm $0x1  }
0x9b: {  	s18 =	sld [smem:$0x3FFB];
	_ =	sdelay $0x3  }
0x9c: {  	_ =	strace s18  }
0x9d: {  	s9 =	sld [smem:$0x3FFC];
	_ =	sdelay $0x3  }
0x9e: {  	_ =	strace s9  }
0x9f: {  	s9 =	sld [smem:$0x3FFD];
	_ =	sdelay $0x3  }
0xa0: {  	_ =	strace s9  }
0xa1: {  	_ =	strace $0x8FFFFFFF  }
0xa2: {  	s19 =	sld [smem:$0x3FDB];
	_ =	sdelay $0x1  }
0xa3: {  	s10 =	simm.s32 $_scs_section_size  }
0xa4: {  	s11 =	simm.s32 $_size__tile_overlayer_lowered;
	s12 =	simm.s32 $_tile_overlayer_lowered  }
0xa5: {  	s22 =	simm.s32 $0x1BFF;
	s21 =	sshll.u32 s12, $0x1;
	s9 =	sadd.s32 s10, s19  }
0xa6: {  	s13 =	simm.s32 $0x0;
	s20 =	sshll.u32 s11, $0x1;
	s11 =	sadd.s32 s21, s9  }
0xa7: {  	[timem:s13], [sflag:s22] =	dma.local [hbm:s11], s20  }
0xa8: {  	_ =	swait.ge [sflag:s22], s20  }
0xa9: {  	s10 =	ssub.s32 $0x0, s20;
	[sflag:s22] =	ssyncset.done $0x0  }
0xaa: {  	[sflag:s22] =	ssyncadd.s32 s10;
	_ =	sdelay $0x1  }
0xab: {  	s23 =	simm.s32 $0x1B8B  }
0xac: {  	_ =	swait.ge [sflag:s23], $0x1  }
0xad: {  	[sflag:s23] =	ssyncset.done $0x0  }
0xae: {  	s25 =	simm.s32 $0x1B8E;
	s24 =	sld [smem:$0x3FFE];
	[sflag:s23] =	ssyncadd.s32 $0xFFFFFFFF  }
0xaf: {  	s26 =	simm.s32 $execute0_lowered;
	[smem:$0x3FD2] =	sst s25  }
0xb0: {  	s11 =	sshll.u32 s26, $0x1;
	_ =	strace $0x80000046;
	[dreg:$0x1] =	wrdreg $0xFFFFFFFF  }
0xb1: {  	s28 =	simm.s32 $_size_execute0_lowered;
	s9 =	sadd.s32 s9, s11;
	[dreg:$0x0] =	wrdreg $0x0  }
0xb2: {  	s11 =	sshll.u32 s28, $0x1;
	[dreg:$0x2] =	wrdreg s9  }
0xb3: {  	[dreg:$0x3] =	wrdreg s11  }
0xb4: {  	[dreg:$0x4] =	wrdreg $0xC0  }
0xb5: {  	_ =	task [dreg:s13], $0x5FFFF  }
0xb6: {  	[dreg:$0x1] =	wrdreg $0xFFFFFFFF  }
0xb7: {  	[dreg:$0x0] =	wrdreg $0x60  }
0xb8: {  	[dreg:$0x2] =	wrdreg s2  }
0xb9: {  	[dreg:$0x3] =	wrdreg s15  }
0xba: {  	[dreg:$0x4] =	wrdreg s5  }
0xbb: {  	[dreg:$0x5] =	wrdreg s24  }
0xbc: {  	[dreg:$0x6] =	wrdreg s6  }
0xbd: {  	[dreg:$0x7] =	wrdreg s7  }
0xbe: {  	[dreg:$0x8] =	wrdreg s16  }
0xbf: {  	[dreg:$0x9] =	wrdreg s17  }
0xc0: {  	[dreg:$0xa] =	wrdreg $0x91800  }
0xc1: {  	[dreg:$0xb] =	wrdreg $0x1D1800  }
0xc2: {  	[dreg:$0xc] =	wrdreg $0x9  }
0xc3: {  	_ =	task.clear_ibuf [dreg:s13], $0xDFFFF;
	_ =	strace $0x90000046  }
0xc4: {  	s29 =	simm.s32 $0x9;
	_ =	strace $0x80000048  }
0xc5: {  	_ =	swait.ge [sflag:s29], $0x1  }
0xc6: {  	[sflag:s29] =	ssyncadd.s32 $0xFFFFFFFF  }
0xc7: {  	_ =	strace $0x90000048  }
0xc8: {  	_ =	sfence  }
0xc9: {  	s30 =	sld [smem:$0x0];
	_ =	sdelay $0x2  }
0xca: {  	s31 =	sshll.u32 s1, $0xD;
	s1 =	sshrl.u32 s1, $0x2  }
0xcb: {  	s3 =	sand.u32 $0x4000, s31;
	s1 =	sadd.s32 s1, s30  }
0xcc: {  	s0 =	sor.u32 s3, s0;
	s1 =	sshll.u32 s1, $0x11  }
0xcd: {  	s0 =	sor.u32 s1, s0  }
0xce: {  	s0 =	sadd.s32 $0x8F2B, s0  }
0xcf: {  	[sflag:s0] =	ssyncadd.remote.s32 $0x1  }
0xd0: {  	_ =	sfence.sel $0xFFFF  }
0xd1: {  	[dreg:$0x0] =	wrdreg $0xFFFFFFFF;
	(pc) =	sbr.abs _section_cstart, $3  }
0xd2: {  	[dreg:$0x1] =	wrdreg $0xFFFFFFFF  }
0xd3: {  	_ =	task.clear_ibuf [dreg:s13], $0x2FFFF;
	_ =	strace $0x9FFFFFFF  }
0xd4: {  	(tm) =	ssettm $0x7FFFFFFF  }
0xd5: {  	_ =	shalt  }
tec
execute0_lowered:
.L_overlay_start_1:
0x0: {  	(tag) =	ssettag $0x1  }
0x1: {  	s0 =	rddreg [dreg:$0x0]  }
0x2: {  	s1 =	rddreg [dreg:$0x1]  }
0x3: {  	s2 =	rddreg [dreg:$0x2]  }
0x4: {  	s9 =	rddreg [dreg:$0x3]  }
0x5: {  	s10 =	rddreg [dreg:$0x4]  }
0x6: {  	s4 =	rddreg [dreg:$0x5]  }
0x7: {  	s13 =	rddreg [dreg:$0x6]  }
0x8: {  	s14 =	rddreg [dreg:$0x7]  }
0x9: {  	s5 =	rddreg [dreg:$0x8]  }
0xa: {  	s6 =	rddreg [dreg:$0x9];
	s7 =	simm.s32 $0x0;
	s8 =	srdreg.scid  }
0xb: {  	s16 =	stileid.u32;
	s22 =	simm.s32 $0x80;
	s23 =	simm.s32 $0x5180  }
0xc: {  	s24 =	simm.s32 $0x5100;
	s25 =	simm.s32 $0x1;
	[smem:$0x7FF] =	sst s7  }
0xd: {  	s15 =	sand.u32 $0x1, s8;
	s8 =	sadd.s32 $0x800, s9;
	s17 =	smul.u32 $0x50000, s16  }
0xe: {  	s9 =	sadd.s32 $0xA800, s9;
	s26 =	sshll.u32 s16, $0x1;
	s28 =	smul.u32 $0x14000, s16  }
0xf: {  	s21 =	sshll.u32 s16, $0x6;
	p0 =	sne.s32 s16, $0x0;
	_ =	strace $0x80000047  }
0x10: {  	s11 =	ssub.s32 $0x2, s15;
	s19 =	sor.u32 s15, s26;
	s30 =	smul.u32 $0x140000, s15  }
0x11: {  	s15 =	sshll.u32 s15, $0x4;
	s26 =	simm.s32 $0x0;
	s12 =	sshrl.u32 s11, $0x1  }
0x12: {  	s29 =	sshrl.u32 s17, $0x2;
	s31 =	sshrl.u32 s28, $0x3;
	s14 =	sadd.s32 s14, s15  }
0x13: {  	s18 =	ssub.s32 s11, s12;
	s20 =	sadd.s32 s29, s5;
	s10 =	sadd.s32 s10, s31  }
0x14: {  	s11 =	sor.u32 $0x1C02, s21;
	s17 =	sadd.s32 s28, s30;
	s12 =	smul.u32 $0x2800, s19  }
0x15: {  	s19 =	simm.s32 $0x2800;
	s21 =	simm.s32 $0x5080;
	s17 =	sshrl.u32 s17, $0x3  }
0x16: {  	s15 =	smax.u32 s18, $0x1;
	s16 =	sshrl.u32 s20, $0x3;
	s18 =	sshrl.u32 @!p0 s6, $0x3  }
0x17: {  	s20 =	simm.s32 $0x5000;
	s13 =	sadd.s32 s13, s17;
	s17 =	simm.s32 $0x2  }
.LBB2_1:
0x18: {  	[spmem:s16], [sflag:s11] =	dma.local [hbm:s10], $0x2800  }
0x19: {  	_ =	swait.ge [sflag:s17], $0x2800  }
0x1a: {  	[sflag:s17] =	ssyncset.done $0x0  }
0x1b: {  	s28 =	simm.s32 @!p0 $0x2;
	[sflag:s17] =	ssyncadd.s32 $0xFFFFD800  }
0x1c: {  	[spmem:s18], [sflag:s11] =	dma.local @!p0 [hbm:s4], $0x500  }
0x1d: {  	_ =	swait.ge @!p0 [sflag:s28], $0x500  }
0x1e: {  	[sflag:s28] =	ssyncset.done @!p0 $0x0  }
0x1f: {  	[sflag:s28] =	ssyncadd.s32 @!p0 $0xFFFFFB00  }
0x20: {  	[tilespmem:s7], [sflag:$0x2] =	stream.linear.gather [hbm4b:s1+s7], $0x2800, $0x38;
	[tilespmem:$0x1D400] =	vst v63  }
0x21: {  	_ =	swait.ge [sflag:s17], $0x2800  }
0x22: {  	[sflag:s17] =	ssyncset.done $0x0  }
0x23: {  	[sflag:s17] =	ssyncadd.s32 $0xFFFFD800  }
0x24: {  	[tilespmem:s19], [sflag:$0x2] =	stream.linear.gather [hbm4b:s2+s7], $0x2800, $0x38;
	[tilespmem:$0x1D400] =	vst v63  }
0x25: {  	_ =	swait.ge [sflag:s17], $0x2800  }
0x26: {  	[sflag:s17] =	ssyncset.done $0x0  }
0x27: {  	[sflag:s17] =	ssyncadd.s32 $0xFFFFD800  }
0x28: {  	s28 =	simm.s32 $0x0;
	[bflag:$0x0] =	sbarrier.arrive $0xFFFF  }
.LBB2_2:
0x29: {  	s29 =	sshll.u32 s28, $0x7  }
0x2a: {  	s30 =	sand.u32 $0x3C00, s29  }
0x2b: {  	s29 =	sand.u32 $0x380, s29;
	s30 =	sadd.s32 s12, s30  }
0x2c: {  	s29 =	sor.u32 s29, s30  }
0x2d: {  	s30 =	sshrl.u32 s29, $0x3  }
0x2e: {  	s29 =	simm.s32 $0x0;
	s31 =	sadd.s32 s8, s30  }
0x2f: {  	[tilespmem:s20], [sflag:$0x2] =	stream.linear.gather [hbm4b:s31+s29], $0x80, $0x38;
	[tilespmem:$0x1D400] =	vst v63  }
0x30: {  	_ =	swait.ge [sflag:s17], $0x80  }
0x31: {  	[sflag:s17] =	ssyncset.done $0x0  }
0x32: {  	s30 =	sadd.s32 s9, s30;
	[sflag:s17] =	ssyncadd.s32 $0xFFFFFF80  }
0x33: {  	[tilespmem:s21], [sflag:$0x2] =	stream.linear.gather [hbm4b:s30+s29], $0x80, $0x38;
	[tilespmem:$0x1D400] =	vst v63  }
0x34: {  	_ =	swait.ge [sflag:s17], $0x80  }
0x35: {  	[sflag:s17] =	ssyncset.done $0x0  }
0x36: {  	[sflag:s17] =	ssyncadd.s32 $0xFFFFFF80  }
0x37: {  	[tilespmem:s23], [sflag:$0x1] =	stream.indirect.gather [hbm4b:s0+s22], $0x80, s20, s22, $0xb8;
	[tilespmem:$0x1D400] =	vst v63  }
0x38: {  	v0 =	vld [tilespmem:$0x5080]  }
0x39: {  	v1 =	vld [tilespmem:$0x5000];
	_ =	sdelay $0x6  }
0x3a: {  	v0 =	vld.idx.msk [tilespmem:v0+s29+$0x0], $0xffff  }
0x3b: {  	v1 =	vld.idx.msk [tilespmem:v1+s19+$0x0], $0xffff;
	_ =	sdelay $0x4  }
0x3c: {  	v0 =	vadd.f32 v1, v0;
	_ =	sdelay $0x1  }
0x3d: {  	v1 =	vmul.f32 $2.000000030e-01, v0;
	_ =	sdelay $0x1  }
0x3e: {  	v0 =	vmax.f32 v0, v1  }
0x3f: {  	v0 =	vmul.f32 $1.442695020e+00, v0;
	_ =	sdelay $0x1  }
0x40: {  	(erf) = vpow2.f32 v0;
	_ =	sdelay $0x2  }
0x41: {  	v0 =	vld [tilespmem:$0x5090]  }
0x42: {  	v1 =	vld [tilespmem:$0x5010];
	_ =	sdelay $0x4  }
0x43: {  	v2 =	vpop (erf)  }
0x44: {  	[tilespmem:$0x5100] =	vst v2  }
0x45: {  	v0 =	vld.idx.msk [tilespmem:v0+s29+$0x0], $0xffff  }
0x46: {  	v1 =	vld.idx.msk [tilespmem:v1+s19+$0x0], $0xffff;
	_ =	sdelay $0x4  }
0x47: {  	v0 =	vadd.f32 v1, v0;
	_ =	sdelay $0x1  }
0x48: {  	v1 =	vmul.f32 $2.000000030e-01, v0;
	_ =	sdelay $0x1  }
0x49: {  	v0 =	vmax.f32 v0, v1  }
0x4a: {  	v0 =	vmul.f32 $1.442695020e+00, v0;
	_ =	sdelay $0x1  }
0x4b: {  	(erf) = vpow2.f32 v0;
	_ =	sdelay $0x2  }
0x4c: {  	v0 =	vld [tilespmem:$0x50A0]  }
0x4d: {  	v1 =	vld [tilespmem:$0x5020];
	_ =	sdelay $0x4  }
0x4e: {  	v2 =	vpop (erf)  }
0x4f: {  	[tilespmem:$0x5110] =	vst v2  }
0x50: {  	v0 =	vld.idx.msk [tilespmem:v0+s29+$0x0], $0xffff  }
0x51: {  	v1 =	vld.idx.msk [tilespmem:v1+s19+$0x0], $0xffff;
	_ =	sdelay $0x4  }
0x52: {  	v0 =	vadd.f32 v1, v0;
	_ =	sdelay $0x1  }
0x53: {  	v1 =	vmul.f32 $2.000000030e-01, v0;
	_ =	sdelay $0x1  }
0x54: {  	v0 =	vmax.f32 v0, v1  }
0x55: {  	v0 =	vmul.f32 $1.442695020e+00, v0;
	_ =	sdelay $0x1  }
0x56: {  	(erf) = vpow2.f32 v0;
	_ =	sdelay $0x2  }
0x57: {  	v0 =	vld [tilespmem:$0x50B0]  }
0x58: {  	v1 =	vld [tilespmem:$0x5030];
	_ =	sdelay $0x4  }
0x59: {  	v2 =	vpop (erf)  }
0x5a: {  	[tilespmem:$0x5120] =	vst v2  }
0x5b: {  	v0 =	vld.idx.msk [tilespmem:v0+s29+$0x0], $0xffff  }
0x5c: {  	v1 =	vld.idx.msk [tilespmem:v1+s19+$0x0], $0xffff;
	_ =	sdelay $0x4  }
0x5d: {  	v0 =	vadd.f32 v1, v0;
	_ =	sdelay $0x1  }
0x5e: {  	v1 =	vmul.f32 $2.000000030e-01, v0;
	_ =	sdelay $0x1  }
0x5f: {  	v0 =	vmax.f32 v0, v1  }
0x60: {  	v0 =	vmul.f32 $1.442695020e+00, v0;
	_ =	sdelay $0x1  }
0x61: {  	(erf) = vpow2.f32 v0;
	_ =	sdelay $0x2  }
0x62: {  	v0 =	vld [tilespmem:$0x50C0]  }
0x63: {  	v1 =	vld [tilespmem:$0x5040];
	_ =	sdelay $0x4  }
0x64: {  	v2 =	vpop (erf)  }
0x65: {  	[tilespmem:$0x5130] =	vst v2  }
0x66: {  	v0 =	vld.idx.msk [tilespmem:v0+s29+$0x0], $0xffff  }
0x67: {  	v1 =	vld.idx.msk [tilespmem:v1+s19+$0x0], $0xffff;
	_ =	sdelay $0x4  }
0x68: {  	v0 =	vadd.f32 v1, v0;
	_ =	sdelay $0x1  }
0x69: {  	v1 =	vmul.f32 $2.000000030e-01, v0;
	_ =	sdelay $0x1  }
0x6a: {  	v0 =	vmax.f32 v0, v1  }
0x6b: {  	v0 =	vmul.f32 $1.442695020e+00, v0;
	_ =	sdelay $0x1  }
0x6c: {  	(erf) = vpow2.f32 v0;
	_ =	sdelay $0x2  }
0x6d: {  	v0 =	vld [tilespmem:$0x50D0]  }
0x6e: {  	v1 =	vld [tilespmem:$0x5050];
	_ =	sdelay $0x4  }
0x6f: {  	v2 =	vpop (erf)  }
0x70: {  	[tilespmem:$0x5140] =	vst v2  }
0x71: {  	v0 =	vld.idx.msk [tilespmem:v0+s29+$0x0], $0xffff  }
0x72: {  	v1 =	vld.idx.msk [tilespmem:v1+s19+$0x0], $0xffff;
	_ =	sdelay $0x4  }
0x73: {  	v0 =	vadd.f32 v1, v0;
	_ =	sdelay $0x1  }
0x74: {  	v1 =	vmul.f32 $2.000000030e-01, v0;
	_ =	sdelay $0x1  }
0x75: {  	v0 =	vmax.f32 v0, v1  }
0x76: {  	v0 =	vmul.f32 $1.442695020e+00, v0;
	_ =	sdelay $0x1  }
0x77: {  	(erf) = vpow2.f32 v0;
	_ =	sdelay $0x2  }
0x78: {  	v0 =	vld [tilespmem:$0x50E0]  }
0x79: {  	v1 =	vld [tilespmem:$0x5060];
	_ =	sdelay $0x4  }
0x7a: {  	v2 =	vpop (erf)  }
0x7b: {  	[tilespmem:$0x5150] =	vst v2  }
0x7c: {  	v0 =	vld.idx.msk [tilespmem:v0+s29+$0x0], $0xffff  }
0x7d: {  	v1 =	vld.idx.msk [tilespmem:v1+s19+$0x0], $0xffff;
	_ =	sdelay $0x4  }
0x7e: {  	v0 =	vadd.f32 v1, v0;
	_ =	sdelay $0x1  }
0x7f: {  	v1 =	vmul.f32 $2.000000030e-01, v0;
	_ =	sdelay $0x1  }
0x80: {  	v0 =	vmax.f32 v0, v1  }
0x81: {  	v0 =	vmul.f32 $1.442695020e+00, v0;
	_ =	sdelay $0x1  }
0x82: {  	(erf) = vpow2.f32 v0;
	_ =	sdelay $0x2  }
0x83: {  	v0 =	vld [tilespmem:$0x50F0]  }
0x84: {  	v1 =	vld [tilespmem:$0x5070];
	_ =	sdelay $0x4  }
0x85: {  	v2 =	vpop (erf)  }
0x86: {  	[tilespmem:$0x5160] =	vst v2  }
0x87: {  	v0 =	vld.idx.msk [tilespmem:v0+s29+$0x0], $0xffff  }
0x88: {  	v1 =	vld.idx.msk [tilespmem:v1+s19+$0x0], $0xffff;
	_ =	sdelay $0x4  }
0x89: {  	v0 =	vadd.f32 v1, v0;
	_ =	sdelay $0x1  }
0x8a: {  	v1 =	vmul.f32 $2.000000030e-01, v0;
	_ =	sdelay $0x1  }
0x8b: {  	v0 =	vmax.f32 v0, v1  }
0x8c: {  	v0 =	vmul.f32 $1.442695020e+00, v0;
	_ =	sdelay $0x1  }
0x8d: {  	(erf) = vpow2.f32 v0;
	_ =	sdelay $0x8  }
0x8e: {  	v0 =	vpop (erf)  }
0x8f: {  	[tilespmem:$0x5170] =	vst v0  }
0x90: {  	[spmem:s6] =	stream.indirect.scatter.add.f32 [tilespmem:s24], [sflag:$0x2], $0x1, s21, s22, $0xb8;
	[tilespmem:$0x1D400] =	vst v63  }
0x91: {  	_ =	swait.ge [sflag:s17], $0x80  }
0x92: {  	[sflag:s17] =	ssyncset.done $0x0  }
0x93: {  	[sflag:s17] =	ssyncadd.s32 $0xFFFFFF80  }
0x94: {  	_ =	swait.ge [sflag:s25], $0x4000  }
0x95: {  	v0 =	vmov s29;
	[sflag:s25] =	ssyncset.done $0x0  }
0x96: {  	s29 =	simm.s32 $0x51C0;
	[sflag:s25] =	ssyncadd.s32 $0xFFFFC000  }
0x97: {  	v4 =	vld [tilespmem:s29+$0x30]  }
0x98: {  	v7 =	vld [tilespmem:s29+$0x10]  }
0x99: {  	v5 =	vld [tilespmem:s29+$0xFFFFFFC0]  }
0x9a: {  	v1 =	vld.idx.msk [tilespmem:v0+s24+$0x0], $0xffff  }
0x9b: {  	v9 =	vld [tilespmem:s29+$0xFFFFFFE0]  }
0x9c: {  	v0 =	vld [tilespmem:s29+$0xFFFFFFF0]  }
0x9d: {  	v2 =	vld [tilespmem:s29+$0x20]  }
0x9e: {  	v3 =	vld [tilespmem:s29+$0xFFFFFFD0]  }
0x9f: {  	v8 =	vmul.f32 v4, v1;
	v4 =	vld [tilespmem:s29+$0x0]  }
0xa0: {  	v6 =	vmul.f32 v5, v1  }
0xa1: {  	s31 =	simm.s32 $0x51C0;
	s30 =	simm.s32 $0x1;
	v5 =	vmul.f32 v9, v1;
	v7 =	vmul.f32 v7, v1  }
.LBB2_3:
0xa2: {  	p1 =	sne.s32 s30, $0x7F  }
0xa3: {  	v3 =	vmul.f32 v3, v1;
	v2 =	vmul.f32 v2, v1;
	[tilespmem:s29+$0x30] =	vst v8;
	s31 =	sadd.s32 $0x80, s31;
	s3 =	smov.u32 s30;
	s30 =	sadd.s32 $0x1, s30  }
0xa4: {  	[tilespmem:s29+$0xFFFFFFC0] =	vst v6;
	v6 =	vmul.f32 v0, v1;
	v1 =	vmul.f32 v4, v1  }
0xa5: {  	[tilespmem:s29+$0x10] =	vst v7  }
0xa6: {  	v4 =	vmov s3;
	[tilespmem:s29+$0xFFFFFFE0] =	vst v5  }
0xa7: {  	v0 =	vld [tilespmem:s31+$0xFFFFFFF0];
	[tilespmem:s29+$0xFFFFFFF0] =	vst v6  }
0xa8: {  	v5 =	vld [tilespmem:s31+$0x30];
	[tilespmem:s29+$0x0] =	vst v1  }
0xa9: {  	v7 =	vld [tilespmem:s31+$0x10];
	[tilespmem:s29+$0x20] =	vst v2  }
0xaa: {  	v6 =	vld [tilespmem:s31+$0xFFFFFFC0];
	[tilespmem:s29+$0xFFFFFFD0] =	vst v3;
	s29 =	smov.u32 s31  }
0xab: {  	v1 =	vld.idx.msk [tilespmem:v4+s24+$0x0], $0xffff  }
0xac: {  	v9 =	vld [tilespmem:s31+$0xFFFFFFE0]  }
0xad: {  	v2 =	vld [tilespmem:s31+$0x20]  }
.Ltmp0:
0xae: {  	v3 =	vld [tilespmem:s31+$0xFFFFFFD0];
	(pc) =	sbr.rel @p1 .LBB2_3-.Ltmp0, $3  }
0xaf: {  	v4 =	vld [tilespmem:s31+$0x0];
	_ =	sdelay $0x1  }
0xb0: {  	v6 =	vmul.f32 v6, v1;
	v8 =	vmul.f32 v5, v1  }
0xb1: {  	v7 =	vmul.f32 v7, v1;
	v5 =	vmul.f32 v9, v1  }
0xb2: {  	[tilespmem:s29+$0x30] =	vst v8  }
0xb3: {  	[tilespmem:s29+$0xFFFFFFC0] =	vst v6  }
0xb4: {  	v0 =	vmul.f32 v0, v1;
	[tilespmem:s29+$0x10] =	vst v7  }
0xb5: {  	v2 =	vmul.f32 v2, v1;
	[tilespmem:s29+$0xFFFFFFE0] =	vst v5  }
0xb6: {  	v63 =	vmul.f32 v3, v1;
	[tilespmem:s29+$0xFFFFFFF0] =	vst v0  }
0xb7: {  	s28 =	sadd.s32 $0x1, s28;
	v4 =	vmul.f32 v4, v1;
	[tilespmem:s29+$0x20] =	vst v2  }
0xb8: {  	p1 =	sne.s32 s28, $0x4F;
	[tilespmem:s29+$0xFFFFFFD0] =	vst v63  }
.Ltmp1:
0xb9: {  	[tilespmem:s29+$0x0] =	vst v4;
	(pc) =	sbr.rel @p1 .LBB2_2-.Ltmp1, $4  }
0xba: {  	[spmem:s5] =	stream.indirect.scatter.add.f32 [tilespmem:s23], [sflag:$0x2], $0x80, s21, s22, $0xb8;
	[tilespmem:$0x1D400] =	vst v63  }
0xbb: {  	_ =	swait.ge [sflag:s17], $0x4000  }
0xbc: {  	[sflag:s17] =	ssyncset.done $0x0  }
0xbd: {  	[sflag:s17] =	ssyncadd.s32 $0xFFFFC000  }
0xbe: {  	[bflag:$0x0] =	sbarrier.arrive $0xFFFF  }
0xbf: {  	[hbm:s13], [sflag:s11] =	dma.local [spmem:s16], $0x2800  }
0xc0: {  	s3 =	simm.s32 @!p0 $0x1;
	_ =	swait.ge [sflag:s17], $0x2800  }
0xc1: {  	s28 =	simm.s32 @!p0 $0x20;
	s26 =	sadd.s32 $0x1, s26;
	[sflag:s17] =	ssyncset.done $0x0  }
0xc2: {  	s29 =	simm.s32 @!p0 $0x10;
	p1 =	sne.s32 s26, s15;
	[sflag:s17] =	ssyncadd.s32 $0xFFFFD800  }
0xc3: {  	[hbm:s14@s28], [sflag:s11] =	dma.strided @!p0 [spmem:s18@s29], $0x500, s3, $0x10   }
.Ltmp2:
0xc4: {  	_ = 	snop;
	(pc) =	sbr.rel @p1 .LBB2_1-.Ltmp2, $4  }
0xc5: {  	s3 =	simm.s32 @!p0 $0x2  }
0xc6: {  	_ =	swait.ge @!p0 [sflag:s3], $0x500  }
0xc7: {  	[sflag:s3] =	ssyncset.done @!p0 $0x0  }
0xc8: {  	[sflag:s3] =	ssyncadd.s32 @!p0 $0xFFFFFB00  }
0xc9: {  	_ =	sfence.sel $0x180000  }
0xca: {  	[bflag:$0x0] =	sbarrier.arrive $0xFFFF  }
0xcb: {  	_ =	strace $0x90000047  }
0xcc: {  	[bflag:$0x2] =	sbarrier.arrive $0xFFFF  }
0xcd: {  	s0 =	rddreg [dreg:$0xa]  }
0xce: {  	s0 =	sadd.s32 @!p0 $0x100000, s0  }
0xcf: {  	[sflag:s0] =	ssyncadd.tile.s32 @!p0 $0x1;
	_ =	shalt  }
.Lfunc_end2:
_tile_overlayer_lowered:
.L_overlay_start_2:
0xd0: {  	(tag) =	ssettag $0x2  }
0xd1: {  	s0 =	rddreg [dreg:$0x0];
	s2 =	stileid.u32  }
0xd2: {  	s1 =	rddreg [dreg:$0x1];
	p0 =	sne.s32 s2, $0x0  }
0xd3: {  	s3 =	rddreg [dreg:$0x2];
	[bflag:$0x3] =	sbarrier.arrive $0xFFFF;
	s2 =	simm.s32 @!p0 $0x1C02  }
0xd4: {  	[timem:s3], [sflag:s2] =	dma.local @!p0 [hbm:s0], s1  }
0xd5: {  	s0 =	simm.s32 @!p0 $0x2  }
0xd6: {  	_ =	swait.ge @!p0 [sflag:s0], s1  }
0xd7: {  	s1 =	ssub.s32 @!p0 $0x0, s1;
	[sflag:s0] =	ssyncset.done @!p0 $0x0  }
0xd8: {  	[sflag:s0] =	ssyncadd.s32 @!p0 s1  }
0xd9: {  	[bflag:$0x3] =	sbarrier.arrive $0xFFFF  }
0xda: {  	_ =	shalt  }

</sc_bundles>
